<compile_context>
chip_gen: v7x
topology: tpu7x:2x2x1
jax: 0.10.2.dev20260603
libtpu: 0.0.44.dev20260713+nightly
codegen_flags: <defaults>
</compile_context>

<pallas_src>
import functools

import jax
import jax.numpy as jnp
from jax import lax
from jax.experimental import pallas as pl
from jax.experimental.pallas import tpu as pltpu
from jax.experimental.pallas import tpu_sc as plsc

NUM_CLASSES_K = 100000
SMOOTHING_K = 0.1
CONFIDENCE_K = 1.0 - SMOOTHING_K
EPS_K = SMOOTHING_K / (NUM_CLASSES_K - 1)

CLASS_CHUNK = 5000


def _gather_pred_at_target(xt, target):
    info = plsc.get_sparse_core_info()
    nc, ns, nl = info.num_cores, info.num_subcores, info.num_lanes
    nw = nc * ns
    b = target.shape[0]
    d = xt.shape[1]
    b_per_w = b // nw
    mesh = plsc.VectorSubcoreMesh(core_axis_name="c", subcore_axis_name="s")

    @functools.partial(
        pl.kernel,
        out_type=jax.ShapeDtypeStruct((b,), jnp.float32),
        mesh=mesh,
        scratch_types=[
            pltpu.VMEM((b_per_w,), jnp.int32),
            pltpu.VMEM((b_per_w, d), jnp.float32),
            pltpu.VMEM((b_per_w,), jnp.float32),
            pltpu.SemaphoreType.DMA,
        ],
        compiler_params=pltpu.CompilerParams(
            needs_layout_passes=False, skip_device_barrier=True),
    )
    def sc_gather(table_hbm, idx_hbm, out_hbm, idx_v, rows_v, g_v, sem):
        wid = lax.axis_index("s") * nc + lax.axis_index("c")
        base = wid * b_per_w
        pltpu.sync_copy(idx_hbm.at[pl.ds(base, b_per_w)], idx_v)
        pltpu.async_copy(table_hbm.at[idx_v], rows_v, sem).wait()
        for v in range(b_per_w // nl):
            r_idx = lax.iota(jnp.int32, nl) + v * nl
            c_idx = r_idx + base
            g_v[pl.ds(v * nl, nl)] = plsc.load_gather(rows_v, [r_idx, c_idx])
        pltpu.sync_copy(g_v, out_hbm.at[pl.ds(base, b_per_w)])

    return sc_gather(xt, target)


def _colsum(x):
    ones = jnp.ones((1, x.shape[0]), jnp.float32)
    return jax.lax.dot_general(ones, x, (((1,), (0,)), ((), ())),
                               preferred_element_type=jnp.float32)


def _accumulate(x_ref, row0, m_ref, s_ref, t_ref, *, num_classes, masked):
    if masked:
        row = jax.lax.broadcasted_iota(jnp.int32, x_ref.shape, 0) + row0
        valid = row < num_classes
        x_max_in = jnp.where(valid, x_ref[...], -jnp.inf)
        x_sum_in = jnp.where(valid, x_ref[...], 0.0)
    else:
        x_max_in = x_ref[...]
        x_sum_in = x_ref[...]

    m_old = m_ref[...]
    chunk_max = jnp.max(x_max_in, axis=0, keepdims=True)
    m_new = jnp.maximum(m_old, chunk_max)
    s_ref[...] = s_ref[...] * jnp.exp(m_old - m_new) + _colsum(
        jnp.exp(x_max_in - m_new))
    m_ref[...] = m_new

    t_ref[...] = t_ref[...] + _colsum(x_sum_in)


def _loss_kernel(xt_ref, out_ref, m_ref, s_ref, t_ref,
                 *, num_chunks, num_classes, total_rows):
    j = pl.program_id(0)

    @pl.when(j == 0)
    def _init():
        m_ref[...] = jnp.full_like(m_ref, -jnp.inf)
        s_ref[...] = jnp.zeros_like(s_ref)
        t_ref[...] = jnp.zeros_like(t_ref)

    row0 = j * CLASS_CHUNK
    ragged = num_classes % CLASS_CHUNK != 0

    if ragged:
        @pl.when(j < num_chunks - 1)
        def _full():
            _accumulate(xt_ref, row0, m_ref, s_ref, t_ref,
                        num_classes=num_classes, masked=False)

        @pl.when(j == num_chunks - 1)
        def _last_acc():
            _accumulate(xt_ref, row0, m_ref, s_ref, t_ref,
                        num_classes=num_classes, masked=True)
    else:
        _accumulate(xt_ref, row0, m_ref, s_ref, t_ref,
                    num_classes=num_classes, masked=False)

    @pl.when(j == num_chunks - 1)
    def _finalize():
        lse = m_ref[...] + jnp.log(s_ref[...])
        part = (-EPS_K * (t_ref[...] - num_classes * lse)
                + (CONFIDENCE_K - EPS_K) * lse)
        out_ref[...] = jnp.sum(part).reshape(1, 1) / total_rows


def _combine_kernel(a_ref, g_ref, out_ref, *, total_rows):
    out_ref[...] = a_ref[...] - (CONFIDENCE_K - EPS_K) * (
        jnp.sum(g_ref[...]).reshape(1, 1) / total_rows)


def kernel(pred, target):
    rows, num_classes = pred.shape
    xt = pred.T
    num_chunks = pl.cdiv(num_classes, CLASS_CHUNK)

    g = _gather_pred_at_target(xt, target.astype(jnp.int32))
    g2d = g.reshape(1, rows)

    part = pl.pallas_call(
        functools.partial(_loss_kernel, num_chunks=num_chunks,
                          num_classes=num_classes, total_rows=rows),
        grid=(num_chunks,),
        in_specs=[
            pl.BlockSpec((CLASS_CHUNK, rows), lambda j: (j, 0)),
        ],
        out_specs=pl.BlockSpec((1, 1), lambda j: (0, 0)),
        out_shape=jax.ShapeDtypeStruct((1, 1), jnp.float32),
        scratch_shapes=[
            pltpu.VMEM((1, rows), jnp.float32),
            pltpu.VMEM((1, rows), jnp.float32),
            pltpu.VMEM((1, rows), jnp.float32),
        ],
        compiler_params=pltpu.CompilerParams(
            vmem_limit_bytes=100 * 1024 * 1024),
    )(xt)

    out = pl.pallas_call(
        functools.partial(_combine_kernel, total_rows=rows),
        in_specs=[
            pl.BlockSpec((1, 1), lambda: (0, 0)),
            pl.BlockSpec((1, rows), lambda: (0, 0)),
        ],
        out_specs=pl.BlockSpec((1, 1), lambda: (0, 0)),
        out_shape=jax.ShapeDtypeStruct((1, 1), jnp.float32),
    )(part, g2d)
    return out[0, 0]

# --- scband reference (transcript-rebuilt; emitter-appended) ---
"""Pipeline reference for scband-label-smoothing-loss-70068096467742 (READ-ONLY COPY).

The authoritative reference and input builder live on the scoring server;
editing this copy changes nothing except your own understanding.
"""

import jax, jax.numpy as jnp
import numpy as np

NUM_CLASSES = 100000
SMOOTHING = 0.1
CONFIDENCE = 1.0 - SMOOTHING


def setup_inputs(seed: int = 0) -> dict:
    key = jax.random.key(seed)
    k1, k2 = jax.random.split(key)
    pred = jax.random.normal(k1, (1024, NUM_CLASSES), dtype=jnp.float32)
    target = jax.random.randint(k2, (1024,), 0, NUM_CLASSES, dtype=jnp.int64 if jax.config.jax_enable_x64 else jnp.int32)
    return {"pred": pred, "target": target}


def reference(pred, target):
    # true_dist built without gradient dependence (matches torch.no_grad block)
    true_dist = jnp.full(pred.shape, SMOOTHING / (NUM_CLASSES - 1), dtype=pred.dtype)
    rows = jnp.arange(pred.shape[0])
    true_dist = true_dist.at[rows, target].set(CONFIDENCE)
    logp = jax.nn.log_softmax(pred, axis=1)
    return jnp.mean(jnp.sum(-true_dist * logp, axis=1))

if __name__ == "__main__":
    import jax
    _d = setup_inputs()
    print(jax.jit(kernel)(*tuple(_d.values())))

</pallas_src>

<mosaic_0001>
#map = affine_map<(d0, d1) -> (0, 0)>
#map1 = affine_map<(d0, d1) -> (0)>
module attributes {stable_mosaic.version = 14 : i64} {
  func.func @sc_gather(%arg0: i32, %arg1: i32, %arg2: memref<100000x1024xf32, #tpu.memory_space<hbm>>, %arg3: memref<1024xi32, #tpu.memory_space<hbm>>, %arg4: memref<1024xf32, #tpu.memory_space<hbm>>, %arg5: memref<32xi32, #tpu.memory_space<vmem>>, %arg6: memref<32x1024xf32, #tpu.memory_space<vmem>>, %arg7: memref<32xf32, #tpu.memory_space<vmem>>, %arg8: memref<!tpu.dma_semaphore, #tpu.memory_space<semaphore_mem>>) attributes {dimension_semantics = [#tpu.dimension_semantics<core_parallel>, #tpu.dimension_semantics<subcore_parallel>], iteration_bounds = array<i64: 2, 16>, scalar_prefetch = 0 : i64, scratch_operands = 4 : i64, tpu.core_type = #tpu.core_type<sc_vector_subcore>, window_params = [{transform_indices = #map}, {transform_indices = #map1}, {transform_indices = #map1}]} {
    %mul3A = arith.constant 2 : i32
    %mul3A_0 = arith.muli %arg1, %mul3A : i32
    %add3A = arith.addi %mul3A_0, %arg0 : i32
    %mul3A_1 = arith.constant 32 : i32
    %mul3A_2 = arith.muli %add3A, %mul3A_1 : i32
    "tpu.region"() ({
      %run_scoped3A = tpu.sem_alloc : memref<!tpu.dma_semaphore, #tpu.memory_space<semaphore_mem>>
      %dma_start3A_22 = tpu.memref_slice %arg3[%mul3A_2] : memref<1024xi32, #tpu.memory_space<hbm>> -> memref<32xi32, #tpu.memory_space<hbm>>
      %dma_start3A_23 = tpu.memref_slice %arg3[%mul3A_2] : memref<1024xi32, #tpu.memory_space<hbm>> -> memref<32xi32, #tpu.memory_space<hbm>>
      tpu.enqueue_dma source(%dma_start3A_23 : memref<32xi32, #tpu.memory_space<hbm>>) target(%arg5 : memref<32xi32, #tpu.memory_space<vmem>>) target_semaphore(%run_scoped3A : memref<!tpu.dma_semaphore, #tpu.memory_space<semaphore_mem>>)
      %dma_wait3A_24 = tpu.memref_slice %arg3[%mul3A_2] : memref<1024xi32, #tpu.memory_space<hbm>> -> memref<32xi32, #tpu.memory_space<hbm>>
      %dma_wait3A_25 = tpu.memref_slice %arg3[%mul3A_2] : memref<1024xi32, #tpu.memory_space<hbm>> -> memref<32xi32, #tpu.memory_space<hbm>>
      tpu.wait_dma2 semaphore(%run_scoped3A : memref<!tpu.dma_semaphore, #tpu.memory_space<semaphore_mem>>) src(%dma_wait3A_25 : memref<32xi32, #tpu.memory_space<hbm>>) dst(%arg5 : memref<32xi32, #tpu.memory_space<vmem>>)
      tpu.yield
    }) : () -> ()
    %dma_start3A = arith.constant 0 : i32
    %dma_start3A_3 = arith.constant 0 : i32
    %dma_start3A_4 = tpu.memref_slice %arg2[%dma_start3A, %dma_start3A_3] : memref<100000x1024xf32, #tpu.memory_space<hbm>> -> memref<100000x1024xf32, #tpu.memory_space<hbm>>
    tpu.enqueue_indirect_dma source(%dma_start3A_4 : memref<100000x1024xf32, #tpu.memory_space<hbm>>) target(%arg6 : memref<32x1024xf32, #tpu.memory_space<vmem>>) offsets(%arg5 : memref<32xi32, #tpu.memory_space<vmem>>) semaphore(%arg8 : memref<!tpu.dma_semaphore, #tpu.memory_space<semaphore_mem>>)
    %dma_wait3A = arith.constant 0 : i32
    %dma_wait3A_5 = arith.constant 0 : i32
    %dma_wait3A_6 = tpu.memref_slice %arg2[%dma_wait3A, %dma_wait3A_5] : memref<100000x1024xf32, #tpu.memory_space<hbm>> -> memref<100000x1024xf32, #tpu.memory_space<hbm>>
    tpu.wait_indirect_dma semaphore(%arg8 : memref<!tpu.dma_semaphore, #tpu.memory_space<semaphore_mem>>) src(%dma_wait3A_6 : memref<100000x1024xf32, #tpu.memory_space<hbm>>) dst(%arg6 : memref<32x1024xf32, #tpu.memory_space<vmem>>)
    %iota3A = tpu.iota {dimensions = array<i32: 0>} : vector<16xi32>
    %add3A_7 = arith.constant 0 : i32
    %add3A_8 = vector.broadcast %add3A_7 : i32 to vector<16xi32>
    %add3A_9 = arith.addi %iota3A, %add3A_8 : vector<16xi32>
    %add3A_10 = vector.broadcast %mul3A_2 : i32 to vector<16xi32>
    %add3A_11 = arith.addi %add3A_9, %add3A_10 : vector<16xi32>
    %gather3A = tpu.vector_load_idx %arg6[%add3A_9, %add3A_11] : memref<32x1024xf32, #tpu.memory_space<vmem>>[vector<16xi32>, vector<16xi32>], vector<16xf32>,
    %swap3A = arith.constant 0 : index
    %swap3A_12 = tpu.vector_load %arg7[%swap3A] {strides = array<i32>} : memref<32xf32, #tpu.memory_space<vmem>>, vector<16xf32>,
    tpu.vector_store %arg7[%swap3A], %gather3A {strides = array<i32>} : memref<32xf32, #tpu.memory_space<vmem>>, vector<16xf32>,
    %iota3A_13 = tpu.iota {dimensions = array<i32: 0>} : vector<16xi32>
    %add3A_14 = arith.constant 16 : i32
    %add3A_15 = vector.broadcast %add3A_14 : i32 to vector<16xi32>
    %add3A_16 = arith.addi %iota3A_13, %add3A_15 : vector<16xi32>
    %add3A_17 = vector.broadcast %mul3A_2 : i32 to vector<16xi32>
    %add3A_18 = arith.addi %add3A_16, %add3A_17 : vector<16xi32>
    %gather3A_19 = tpu.vector_load_idx %arg6[%add3A_16, %add3A_18] : memref<32x1024xf32, #tpu.memory_space<vmem>>[vector<16xi32>, vector<16xi32>], vector<16xf32>,
    %swap3A_20 = arith.constant 16 : index
    %swap3A_21 = tpu.vector_load %arg7[%swap3A_20] {strides = array<i32>} : memref<32xf32, #tpu.memory_space<vmem>>, vector<16xf32>,
    tpu.vector_store %arg7[%swap3A_20], %gather3A_19 {strides = array<i32>} : memref<32xf32, #tpu.memory_space<vmem>>, vector<16xf32>,
    "tpu.region"() ({
      %run_scoped3A = tpu.sem_alloc : memref<!tpu.dma_semaphore, #tpu.memory_space<semaphore_mem>>
      %dma_start3A_22 = tpu.memref_slice %arg4[%mul3A_2] : memref<1024xf32, #tpu.memory_space<hbm>> -> memref<32xf32, #tpu.memory_space<hbm>>
      %dma_start3A_23 = tpu.memref_slice %arg4[%mul3A_2] : memref<1024xf32, #tpu.memory_space<hbm>> -> memref<32xf32, #tpu.memory_space<hbm>>
      tpu.enqueue_dma source(%arg7 : memref<32xf32, #tpu.memory_space<vmem>>) target(%dma_start3A_23 : memref<32xf32, #tpu.memory_space<hbm>>) target_semaphore(%run_scoped3A : memref<!tpu.dma_semaphore, #tpu.memory_space<semaphore_mem>>)
      %dma_wait3A_24 = tpu.memref_slice %arg4[%mul3A_2] : memref<1024xf32, #tpu.memory_space<hbm>> -> memref<32xf32, #tpu.memory_space<hbm>>
      %dma_wait3A_25 = tpu.memref_slice %arg4[%mul3A_2] : memref<1024xf32, #tpu.memory_space<hbm>> -> memref<32xf32, #tpu.memory_space<hbm>>
      tpu.wait_dma2 semaphore(%run_scoped3A : memref<!tpu.dma_semaphore, #tpu.memory_space<semaphore_mem>>) src(%arg7 : memref<32xf32, #tpu.memory_space<vmem>>) dst(%dma_wait3A_25 : memref<32xf32, #tpu.memory_space<hbm>>)
      tpu.yield
    }) : () -> ()
    return
  }
}

module attributes {stable_mosaic.version = 14 : i64} {
  func.func @_combine_kernel(%arg0: memref<1x1xf32, #tpu.memory_space<vmem>>, %arg1: memref<1x1024xf32, #tpu.memory_space<vmem>>, %arg2: memref<1x1xf32, #tpu.memory_space<vmem>>) attributes {dimension_semantics = [], scalar_prefetch = 0 : i64, scratch_operands = 0 : i64, tpu.core_type = #tpu.core_type<tc>} {
    %get3A = arith.constant 0 : index
    %get3A_0 = arith.constant 0 : index
    %get3A_1 = vector.load %arg0[%get3A, %get3A_0] : memref<1x1xf32, #tpu.memory_space<vmem>>, vector<1x1xf32>
    %get3A_2 = arith.constant 0 : index
    %get3A_3 = arith.constant 0 : index
    %get3A_4 = vector.load %arg1[%get3A_2, %get3A_3] : memref<1x1024xf32, #tpu.memory_space<vmem>>, vector<1x1024xf32>
    %reduce_sum3A = vector.shape_cast %get3A_4 : vector<1x1024xf32> to vector<1x1x1024xf32>
    %reduce_sum3A_5 = arith.constant dense<0.000000e+00> : vector<1xf32>
    %reduce_sum3A_6 = vector.multi_reduction <add>, %reduce_sum3A, %reduce_sum3A_5 [1, 2] : vector<1x1x1024xf32> to vector<1xf32>
    %reduce_sum3A_7 = vector.shape_cast %reduce_sum3A_6 : vector<1xf32> to vector<1x1x1xf32>
    %reduce_sum3A_8 = vector.extract %reduce_sum3A_7[0, 0, 0] : f32 from vector<1x1x1xf32>
    %reshape3A = vector.broadcast %reduce_sum3A_8 : f32 to vector<1x1xf32>
    %div3A = arith.constant 1.024000e+03 : f32
    %div3A_9 = vector.broadcast %div3A : f32 to vector<1x1xf32>
    %div3A_10 = arith.divf %reshape3A, %div3A_9 : vector<1x1xf32>
    %mul3A = arith.constant 8.999990e-01 : f32
    %mul3A_11 = vector.broadcast %mul3A : f32 to vector<1x1xf32>
    %mul3A_12 = arith.mulf %mul3A_11, %div3A_10 : vector<1x1xf32>
    %sub3A = arith.subf %get3A_1, %mul3A_12 : vector<1x1xf32>
    %swap3A = arith.constant 0 : index
    %swap3A_13 = arith.constant 0 : index
    %swap3A_14 = vector.load %arg2[%swap3A, %swap3A_13] : memref<1x1xf32, #tpu.memory_space<vmem>>, vector<1x1xf32>
    tpu.vector_store %arg2[%swap3A, %swap3A_13], %sub3A {strides = array<i32>} : memref<1x1xf32, #tpu.memory_space<vmem>>, vector<1x1xf32>,
    return
  }
}

module attributes {stable_mosaic.version = 14 : i64} {
  func.func @_loss_kernel(%arg0: i32, %arg1: memref<5000x1024xf32, #tpu.memory_space<vmem>>, %arg2: memref<1x1xf32, #tpu.memory_space<vmem>>, %arg3: memref<1x1024xf32, #tpu.memory_space<vmem>>, %arg4: memref<1x1024xf32, #tpu.memory_space<vmem>>, %arg5: memref<1x1024xf32, #tpu.memory_space<vmem>>) attributes {dimension_semantics = [#tpu.dimension_semantics<arbitrary>], iteration_bounds = array<i64: 20>, scalar_prefetch = 0 : i64, scratch_operands = 3 : i64, tpu.core_type = #tpu.core_type<tc>, window_params = [{transform_indices = @transform_0, window_bounds = array<i64: 5000, 1024>}, {pipeline_mode = #tpu.pipeline_mode<synchronous>, transform_indices = @transform_1, window_bounds = array<i64: 1, 1>}]} {
    %eq3A = arith.constant 0 : i32
    %eq3A_0 = arith.cmpi eq, %arg0, %eq3A : i32
    %convert_element_type3A = arith.extui %eq3A_0 : i1 to i32
    %cond3A = arith.constant 0 : i32
    %cond3A_1 = arith.cmpi ne, %convert_element_type3A, %cond3A : i32
    scf.if %cond3A_1 {
      %broadcast_in_dim3A_41 = arith.constant 0xFF800000 : f32
      %broadcast_in_dim3A_42 = vector.broadcast %broadcast_in_dim3A_41 : f32 to vector<1x1024xf32>
      %swap3A_43 = arith.constant 0 : index
      %swap3A_44 = arith.constant 0 : index
      %swap3A_45 = vector.load %arg3[%swap3A_43, %swap3A_44] : memref<1x1024xf32, #tpu.memory_space<vmem>>, vector<1x1024xf32>
      tpu.vector_store %arg3[%swap3A_43, %swap3A_44], %broadcast_in_dim3A_42 {strides = array<i32>} : memref<1x1024xf32, #tpu.memory_space<vmem>>, vector<1x1024xf32>,
      %broadcast_in_dim3A_46 = arith.constant 0.000000e+00 : f32
      %broadcast_in_dim3A_47 = vector.broadcast %broadcast_in_dim3A_46 : f32 to vector<1x1024xf32>
      %swap3A_48 = arith.constant 0 : index
      %swap3A_49 = arith.constant 0 : index
      %swap3A_50 = vector.load %arg4[%swap3A_48, %swap3A_49] : memref<1x1024xf32, #tpu.memory_space<vmem>>, vector<1x1024xf32>
      tpu.vector_store %arg4[%swap3A_48, %swap3A_49], %broadcast_in_dim3A_47 {strides = array<i32>} : memref<1x1024xf32, #tpu.memory_space<vmem>>, vector<1x1024xf32>,
      %broadcast_in_dim3A_51 = arith.constant 0.000000e+00 : f32
      %broadcast_in_dim3A_52 = vector.broadcast %broadcast_in_dim3A_51 : f32 to vector<1x1024xf32>
      %swap3A_53 = arith.constant 0 : index
      %swap3A_54 = arith.constant 0 : index
      %swap3A_55 = vector.load %arg5[%swap3A_53, %swap3A_54] : memref<1x1024xf32, #tpu.memory_space<vmem>>, vector<1x1024xf32>
      tpu.vector_store %arg5[%swap3A_53, %swap3A_54], %broadcast_in_dim3A_52 {strides = array<i32>} : memref<1x1024xf32, #tpu.memory_space<vmem>>, vector<1x1024xf32>,
    } else {
    }
    %get3A = arith.constant 0 : index
    %get3A_2 = arith.constant 0 : index
    %get3A_3 = vector.load %arg1[%get3A, %get3A_2] : memref<5000x1024xf32, #tpu.memory_space<vmem>>, vector<5000x1024xf32>
    %get3A_4 = arith.constant 0 : index
    %get3A_5 = arith.constant 0 : index
    %get3A_6 = vector.load %arg1[%get3A_4, %get3A_5] : memref<5000x1024xf32, #tpu.memory_space<vmem>>, vector<5000x1024xf32>
    %get3A_7 = arith.constant 0 : index
    %get3A_8 = arith.constant 0 : index
    %get3A_9 = vector.load %arg3[%get3A_7, %get3A_8] : memref<1x1024xf32, #tpu.memory_space<vmem>>, vector<1x1024xf32>
    %reduce_max3A = arith.constant dense<0xFF800000> : vector<1024xf32>
    %reduce_max3A_10 = vector.multi_reduction <maximumf>, %get3A_3, %reduce_max3A [0] : vector<5000x1024xf32> to vector<1024xf32>
    %broadcast_in_dim3A = vector.shape_cast %reduce_max3A_10 : vector<1024xf32> to vector<1x1024xf32>
    %max3A = arith.maximumf %get3A_9, %broadcast_in_dim3A : vector<1x1024xf32>
    %get3A_11 = arith.constant 0 : index
    %get3A_12 = arith.constant 0 : index
    %get3A_13 = vector.load %arg4[%get3A_11, %get3A_12] : memref<1x1024xf32, #tpu.memory_space<vmem>>, vector<1x1024xf32>
    %sub3A = arith.subf %get3A_9, %max3A : vector<1x1024xf32>
    %exp3A = math.exp %sub3A : vector<1x1024xf32>
    %mul3A = arith.mulf %get3A_13, %exp3A : vector<1x1024xf32>
    %sub3A_14 = vector.broadcast %max3A : vector<1x1024xf32> to vector<5000x1024xf32>
    %sub3A_15 = arith.subf %get3A_3, %sub3A_14 : vector<5000x1024xf32>
    %exp3A_16 = math.exp %sub3A_15 : vector<5000x1024xf32>
    %broadcast_in_dim3A_17 = arith.constant 1.000000e+00 : f32
    %broadcast_in_dim3A_18 = vector.broadcast %broadcast_in_dim3A_17 : f32 to vector<1x5000xf32>
    %dot_general3A = arith.constant dense<0.000000e+00> : vector<1x1024xf32>
    %dot_general3A_19 = tpu.matmul %broadcast_in_dim3A_18, %exp3A_16, %dot_general3A {dimension_numbers = #tpu.dot_dimension_numbers<[1], [0], [0], [1], [0, 0, 1, 1], [], []>, transpose_lhs_hint = false} : vector<1x5000xf32>, vector<5000x1024xf32>, vector<1x1024xf32> -> vector<1x1024xf32>
    %add3A = arith.addf %mul3A, %dot_general3A_19 : vector<1x1024xf32>
    %swap3A = arith.constant 0 : index
    %swap3A_20 = arith.constant 0 : index
    %swap3A_21 = vector.load %arg4[%swap3A, %swap3A_20] : memref<1x1024xf32, #tpu.memory_space<vmem>>, vector<1x1024xf32>
    tpu.vector_store %arg4[%swap3A, %swap3A_20], %add3A {strides = array<i32>} : memref<1x1024xf32, #tpu.memory_space<vmem>>, vector<1x1024xf32>,
    %swap3A_22 = arith.constant 0 : index
    %swap3A_23 = arith.constant 0 : index
    %swap3A_24 = vector.load %arg3[%swap3A_22, %swap3A_23] : memref<1x1024xf32, #tpu.memory_space<vmem>>, vector<1x1024xf32>
    tpu.vector_store %arg3[%swap3A_22, %swap3A_23], %max3A {strides = array<i32>} : memref<1x1024xf32, #tpu.memory_space<vmem>>, vector<1x1024xf32>,
    %get3A_25 = arith.constant 0 : index
    %get3A_26 = arith.constant 0 : index
    %get3A_27 = vector.load %arg5[%get3A_25, %get3A_26] : memref<1x1024xf32, #tpu.memory_space<vmem>>, vector<1x1024xf32>
    %broadcast_in_dim3A_28 = arith.constant 1.000000e+00 : f32
    %broadcast_in_dim3A_29 = vector.broadcast %broadcast_in_dim3A_28 : f32 to vector<1x5000xf32>
    %dot_general3A_30 = arith.constant dense<0.000000e+00> : vector<1x1024xf32>
    %dot_general3A_31 = tpu.matmul %broadcast_in_dim3A_29, %get3A_6, %dot_general3A_30 {dimension_numbers = #tpu.dot_dimension_numbers<[1], [0], [0], [1], [0, 0, 1, 1], [], []>, transpose_lhs_hint = false} : vector<1x5000xf32>, vector<5000x1024xf32>, vector<1x1024xf32> -> vector<1x1024xf32>
    %add3A_32 = arith.addf %get3A_27, %dot_general3A_31 : vector<1x1024xf32>
    %swap3A_33 = arith.constant 0 : index
    %swap3A_34 = arith.constant 0 : index
    %swap3A_35 = vector.load %arg5[%swap3A_33, %swap3A_34] : memref<1x1024xf32, #tpu.memory_space<vmem>>, vector<1x1024xf32>
    tpu.vector_store %arg5[%swap3A_33, %swap3A_34], %add3A_32 {strides = array<i32>} : memref<1x1024xf32, #tpu.memory_space<vmem>>, vector<1x1024xf32>,
    %eq3A_36 = arith.constant 19 : i32
    %eq3A_37 = arith.cmpi eq, %arg0, %eq3A_36 : i32
    %convert_element_type3A_38 = arith.extui %eq3A_37 : i1 to i32
    %cond3A_39 = arith.constant 0 : i32
    %cond3A_40 = arith.cmpi ne, %convert_element_type3A_38, %cond3A_39 : i32
    scf.if %cond3A_40 {
      %get3A_41 = arith.constant 0 : index
      %get3A_42 = arith.constant 0 : index
      %get3A_43 = vector.load %arg3[%get3A_41, %get3A_42] : memref<1x1024xf32, #tpu.memory_space<vmem>>, vector<1x1024xf32>
      %get3A_44 = arith.constant 0 : index
      %get3A_45 = arith.constant 0 : index
      %get3A_46 = vector.load %arg4[%get3A_44, %get3A_45] : memref<1x1024xf32, #tpu.memory_space<vmem>>, vector<1x1024xf32>
      %log3A = math.log %get3A_46 : vector<1x1024xf32>
      %add3A_47 = arith.addf %get3A_43, %log3A : vector<1x1024xf32>
      %get3A_48 = arith.constant 0 : index
      %get3A_49 = arith.constant 0 : index
      %get3A_50 = vector.load %arg5[%get3A_48, %get3A_49] : memref<1x1024xf32, #tpu.memory_space<vmem>>, vector<1x1024xf32>
      %mul3A_51 = arith.constant 1.000000e+05 : f32
      %mul3A_52 = vector.broadcast %mul3A_51 : f32 to vector<1x1024xf32>
      %mul3A_53 = arith.mulf %mul3A_52, %add3A_47 : vector<1x1024xf32>
      %sub3A_54 = arith.subf %get3A_50, %mul3A_53 : vector<1x1024xf32>
      %mul3A_55 = arith.constant -1.000010e-06 : f32
      %mul3A_56 = vector.broadcast %mul3A_55 : f32 to vector<1x1024xf32>
      %mul3A_57 = arith.mulf %mul3A_56, %sub3A_54 : vector<1x1024xf32>
      %mul3A_58 = arith.constant 8.999990e-01 : f32
      %mul3A_59 = vector.broadcast %mul3A_58 : f32 to vector<1x1024xf32>
      %mul3A_60 = arith.mulf %mul3A_59, %add3A_47 : vector<1x1024xf32>
      %add3A_61 = arith.addf %mul3A_57, %mul3A_60 : vector<1x1024xf32>
      %reduce_sum3A = vector.shape_cast %add3A_61 : vector<1x1024xf32> to vector<1x1x1024xf32>
      %reduce_sum3A_62 = arith.constant dense<0.000000e+00> : vector<1xf32>
      %reduce_sum3A_63 = vector.multi_reduction <add>, %reduce_sum3A, %reduce_sum3A_62 [1, 2] : vector<1x1x1024xf32> to vector<1xf32>
      %reduce_sum3A_64 = vector.shape_cast %reduce_sum3A_63 : vector<1xf32> to vector<1x1x1xf32>
      %reduce_sum3A_65 = vector.extract %reduce_sum3A_64[0, 0, 0] : f32 from vector<1x1x1xf32>
      %reshape3A = vector.broadcast %reduce_sum3A_65 : f32 to vector<1x1xf32>
      %div3A = arith.constant 1.024000e+03 : f32
      %div3A_66 = vector.broadcast %div3A : f32 to vector<1x1xf32>
      %div3A_67 = arith.divf %reshape3A, %div3A_66 : vector<1x1xf32>
      %swap3A_68 = arith.constant 0 : index
      %swap3A_69 = arith.constant 0 : index
      %swap3A_70 = vector.load %arg2[%swap3A_68, %swap3A_69] : memref<1x1xf32, #tpu.memory_space<vmem>>, vector<1x1xf32>
      tpu.vector_store %arg2[%swap3A_68, %swap3A_69], %div3A_67 {strides = array<i32>} : memref<1x1xf32, #tpu.memory_space<vmem>>, vector<1x1xf32>,
    } else {
    }
    return
  }
  func.func @transform_0(%arg0: i32) -> (i32, i32) {
    %c0_i32 = arith.constant 0 : i32
    %c0_i32_0 = arith.constant 0 : i32
    return %arg0, %c0_i32 : i32, i32
  }
  func.func @transform_1(%arg0: i32) -> (i32, i32) {
    %c0_i32 = arith.constant 0 : i32
    %c0_i32_0 = arith.constant 0 : i32
    %c0_i32_1 = arith.constant 0 : i32
    return %c0_i32, %c0_i32_0 : i32, i32
  }
}

</mosaic_0001>

<sc_bundles>
// kernel: kernel.5.cloned.1.call-start
scs
__scs_entry_jumppad:
0x0: {  	(pc) =	sbr.rel $0x88, $3  }
0x1: {  	(tag) =	ssettag $0x0;
	lr =	simm.s32 $0x1  }
0x2: {  	[smem:$0x3F9F] =	sst lr;
	_ =	strace $0xD0000000  }
0x3: {  	_ = 	snop  }
0x4: {  	_ = 	snop  }
0x5: {  	_ = 	snop  }
0x6: {  	_ = 	snop  }
0x7: {  	_ = 	snop  }
__scs_overlays_trampoline_lowered:
0x8: {  	[smem:$0x3FAE] =	sst s0  }
0x9: {  	[smem:$0x3FAF] =	sst s1  }
0xa: {  	[smem:$0x3FB0] =	sst s2  }
0xb: {  	[smem:$0x3FB1] =	sst s3  }
0xc: {  	[smem:$0x3FB2] =	sst s4  }
0xd: {  	[smem:$0x3FB3] =	sst s5  }
0xe: {  	[smem:$0x3FB4] =	sst s6  }
0xf: {  	[smem:$0x3FB5] =	sst s7  }
0x10: {  	[smem:$0x3FB6] =	sst s8  }
0x11: {  	[smem:$0x3FB7] =	sst s9;
	s0 =	simm.s32 @!p0 $0x0  }
0x12: {  	s1 =	sld [smem:$0x3F9D];
	s0 =	simm.s32 @p0 $0x1  }
0x13: {  	[smem:$0x3FB8] =	sst s0;
	s0 =	simm.s32 @!p1 $0x0  }
0x14: {  	s2 =	sld [smem:$0x3F9C];
	s0 =	simm.s32 @p1 $0x1  }
0x15: {  	[smem:$0x3FB9] =	sst s0;
	s0 =	simm.s32 @!p2 $0x0  }
0x16: {  	s3 =	sld [smem:$0x3FDB];
	s0 =	simm.s32 @p2 $0x1  }
0x17: {  	s4 =	simm.s32 $0x1BF5;
	[smem:$0x3FBB] =	sst s0  }
0x18: {  	s0 =	sld [smem:$0x3F9E];
	_ =	swait.ge [sflag:s4], $0x0  }
0x19: {  	s7 =	sld [smem:$0x3F9F]  }
0x1a: {  	s8 =	sadd.s32 $0xFFFFE003, lr  }
0x1b: {  	s9 =	sadd.s32 $0xFFFFFEF7, lr;
	s5 =	simm.s32 $0xFFFFFFFF;
	p2 =	slt.u32 s8, $0xFFFFF086  }
0x1c: {  	p1 =	slt.u32 s9, $0xF7A;
	s5 =	simm.s32 @!p2 $0x0  }
0x1d: {  	s5 =	simm.s32 @p1 $0x1;
	p0 =	seq.s32 s7, s2  }
0x1e: {  	s7 =	smul.u32 @!p0 $0xF7A, s2;
	p2 =	seq.s32 @!p0 s5, $0x0  }
0x1f: {  	s9 =	smul.u32 $0xF7A, s1;
	s8 =	simm.s32 @!p0 $0x1BF5;
	p2 =	por !p2, p0  }
0x20: {  	[sflag:s8] =	ssyncset.s32 @!p0 $0xFFFFF086;
	s6 =	sadd.s32 @!p0 s3, s7;
	s7 =	simm.s32 @!p0 $0x108  }
0x21: {  	s3 =	sadd.s32 s3, s9;
	s6 =	sadd.s32 @!p0 $0x88, s6;
	s7 =	simm.s32 @p2 $0x1082  }
0x22: {  	[simem:s7], [sflag:s8] =	dma.local @!p0 [hbm:s6], $0xF7A  }
0x23: {  	s9 =	sor.u32 $0xD0000000, s2;
	s6 =	simm.s32 $0x108;
	_ =	swait.ge @!p0 [sflag:s8], $0x0  }
0x24: {  	s3 =	sadd.s32 $0x88, s3;
	s6 =	simm.s32 @!p1 $0x1082;
	[sflag:s4] =	ssyncset.s32 $0xFFFFF086  }
0x25: {  	[simem:s6], [sflag:s4] =	dma.local [hbm:s3], $0xF7A  }
0x26: {  	[smem:$0x3F9F] =	sst s1;
	(tag) =	ssettag s2;
	_ =	strace s9  }
0x27: {  	s1 =	sld [smem:$0x3FAF]  }
0x28: {  	s2 =	sld [smem:$0x3FB0]  }
0x29: {  	s4 =	sld [smem:$0x3FB2]  }
0x2a: {  	p0 =	seq.s32 s5, $0x0;
	s5 =	sld [smem:$0x3FB3]  }
0x2b: {  	s6 =	sld [smem:$0x3FB4]  }
0x2c: {  	s7 =	sld [smem:$0x3FB5]  }
0x2d: {  	s3 =	simm.s32 $0x108;
	s8 =	sld [smem:$0x3FB6]  }
0x2e: {  	s3 =	simm.s32 @!p0 $0x1082;
	s9 =	sld [smem:$0x3FB7]  }
0x2f: {  	lr =	sadd.s32 s0, s3;
	s0 =	sld [smem:$0x3FAE]  }
0x30: {  	s3 =	sld [smem:$0x3FB1]  }
0x31: {  	[smem:$0x3FBA] =	sst s10  }
0x32: {  	s10 =	sld [smem:$0x3FB8];
	_ =	sdelay $0x3  }
0x33: {  	p0 =	seq.s32 s10, $0x1;
	s10 =	sld [smem:$0x3FBA];
	_ =	sdelay $0x3  }
0x34: {  	[smem:$0x3FBA] =	sst s10  }
0x35: {  	s10 =	sld [smem:$0x3FB9];
	_ =	sdelay $0x3  }
0x36: {  	p1 =	seq.s32 s10, $0x1;
	s10 =	sld [smem:$0x3FBA];
	_ =	sdelay $0x3  }
0x37: {  	[smem:$0x3FBA] =	sst s10  }
0x38: {  	s10 =	sld [smem:$0x3FBB]  }
0x39: {  	_ = 	snop;
	(pc) =	sbr.ind lr, $3  }
0x3a: {  	_ = 	snop  }
0x3b: {  	_ = 	snop  }
0x3c: {  	p2 =	seq.s32 s10, $0x1;
	s10 =	sld [smem:$0x3FBA]  }
0x3d: {  	_ =	shalt  }
0x3e: {  	_ =	shalt  }
0x3f: {  	_ =	shalt  }
0x40: {  	_ =	shalt  }
0x41: {  	_ =	shalt  }
0x42: {  	_ =	shalt  }
0x43: {  	_ =	shalt  }
0x44: {  	_ =	shalt  }
0x45: {  	_ =	shalt  }
0x46: {  	_ =	shalt  }
0x47: {  	_ =	shalt  }
0x48: {  	_ =	shalt  }
0x49: {  	_ =	shalt  }
0x4a: {  	_ =	shalt  }
0x4b: {  	_ =	shalt  }
0x4c: {  	_ =	shalt  }
0x4d: {  	_ =	shalt  }
0x4e: {  	_ =	shalt  }
0x4f: {  	_ =	shalt  }
0x50: {  	_ =	shalt  }
0x51: {  	_ =	shalt  }
0x52: {  	_ =	shalt  }
0x53: {  	_ =	shalt  }
0x54: {  	_ =	shalt  }
0x55: {  	_ =	shalt  }
0x56: {  	_ =	shalt  }
0x57: {  	_ =	shalt  }
0x58: {  	_ =	shalt  }
0x59: {  	_ =	shalt  }
0x5a: {  	_ =	shalt  }
0x5b: {  	_ =	shalt  }
0x5c: {  	_ =	shalt  }
0x5d: {  	_ =	shalt  }
0x5e: {  	_ =	shalt  }
0x5f: {  	_ =	shalt  }
0x60: {  	_ =	shalt  }
0x61: {  	_ =	shalt  }
0x62: {  	_ =	shalt  }
0x63: {  	_ =	shalt  }
0x64: {  	_ =	shalt  }
0x65: {  	_ =	shalt  }
0x66: {  	_ =	shalt  }
0x67: {  	_ =	shalt  }
0x68: {  	_ =	shalt  }
0x69: {  	_ =	shalt  }
0x6a: {  	_ =	shalt  }
0x6b: {  	_ =	shalt  }
0x6c: {  	_ =	shalt  }
0x6d: {  	_ =	shalt  }
0x6e: {  	_ =	shalt  }
0x6f: {  	_ =	shalt  }
0x70: {  	_ =	shalt  }
0x71: {  	_ =	shalt  }
0x72: {  	_ =	shalt  }
0x73: {  	_ =	shalt  }
0x74: {  	_ =	shalt  }
0x75: {  	_ =	shalt  }
0x76: {  	_ =	shalt  }
0x77: {  	_ =	shalt  }
0x78: {  	_ =	shalt  }
0x79: {  	_ =	shalt  }
0x7a: {  	_ =	shalt  }
0x7b: {  	_ =	shalt  }
0x7c: {  	_ =	shalt  }
0x7d: {  	_ =	shalt  }
0x7e: {  	_ =	shalt  }
0x7f: {  	_ =	shalt  }
0x80: {  	_ =	shalt  }
0x81: {  	_ =	shalt  }
0x82: {  	_ =	shalt  }
0x83: {  	_ =	shalt  }
0x84: {  	_ =	shalt  }
0x85: {  	_ =	shalt  }
0x86: {  	_ =	shalt  }
0x87: {  	_ =	shalt  }
.Lfunc_end0:
.L_simem_size_0:
called_computation_lowered:
.L_overlay_start_0:
0x88: {  	s2 =	sld [smem:$0x3FD9]  }
0x89: {  	s3 =	sld [smem:$0x3FFE];
	_ =	sdelay $0x1  }
0x8a: {  	s1 =	srdreg.scid  }
0x8b: {  	s0 =	sand.u32 $0x1, s1  }
0x8c: {  	s17 =	sshll.u32 s0, $0xA;
	s2 =	sadd.s32 s3, s2  }
0x8d: {  	s2 =	sadd.s32 s2, s17  }
0x8e: {  	[smem:$0x3FC6] =	sst s2  }
0x8f: {  	_ = 	snop  }
0x90: {  	s2 =	sld [smem:$0x3FC9]  }
0x91: {  	s18 =	sld [smem:$0x3FC8];
	(tm) =	ssettm $0x1  }
0x92: {  	s4 =	sld [smem:$0x3FFB];
	_ =	sdelay $0x3  }
0x93: {  	_ =	strace s4  }
0x94: {  	s4 =	sld [smem:$0x3FFC];
	_ =	sdelay $0x3  }
0x95: {  	_ =	strace s4  }
0x96: {  	s4 =	sld [smem:$0x3FFD];
	_ =	sdelay $0x3  }
0x97: {  	_ =	strace s4  }
0x98: {  	_ =	strace $0x8FFFFFFF  }
0x99: {  	s19 =	sld [smem:$0x3FDB];
	_ =	sdelay $0x1  }
0x9a: {  	s5 =	simm.s32 $_scs_section_size  }
0x9b: {  	s6 =	simm.s32 $_size__tile_overlayer_lowered;
	s7 =	simm.s32 $_tile_overlayer_lowered  }
0x9c: {  	s22 =	simm.s32 $0x1BFF;
	s21 =	sshll.u32 s7, $0x1;
	s4 =	sadd.s32 s5, s19  }
0x9d: {  	s8 =	simm.s32 $0x0;
	s20 =	sshll.u32 s6, $0x1;
	s6 =	sadd.s32 s21, s4  }
0x9e: {  	[timem:s8], [sflag:s22] =	dma.local [hbm:s6], s20  }
0x9f: {  	_ =	swait.ge [sflag:s22], s20  }
0xa0: {  	s5 =	ssub.s32 $0x0, s20;
	[sflag:s22] =	ssyncset.done $0x0  }
0xa1: {  	[sflag:s22] =	ssyncadd.s32 s5;
	_ =	sdelay $0x1  }
0xa2: {  	s23 =	simm.s32 $0x1B8B  }
0xa3: {  	_ =	swait.ge [sflag:s23], $0x1  }
0xa4: {  	[sflag:s23] =	ssyncset.done $0x0  }
0xa5: {  	s25 =	simm.s32 $0x1B8E;
	s24 =	sld [smem:$0x3FFE];
	[sflag:s23] =	ssyncadd.s32 $0xFFFFFFFF  }
0xa6: {  	s26 =	simm.s32 $execute0_lowered;
	[smem:$0x3FD2] =	sst s25  }
0xa7: {  	s6 =	sshll.u32 s26, $0x1;
	_ =	strace $0x80000046;
	[dreg:$0x1] =	wrdreg $0xFFFFFFFF  }
0xa8: {  	s28 =	simm.s32 $_size_execute0_lowered;
	s4 =	sadd.s32 s4, s6;
	[dreg:$0x0] =	wrdreg $0x0  }
0xa9: {  	s6 =	sshll.u32 s28, $0x1;
	[dreg:$0x2] =	wrdreg s4  }
0xaa: {  	[dreg:$0x3] =	wrdreg s6  }
0xab: {  	[dreg:$0x4] =	wrdreg $0xC0  }
0xac: {  	_ =	task [dreg:s8], $0x5FFFF  }
0xad: {  	[dreg:$0x1] =	wrdreg $0xFFFFFFFF  }
0xae: {  	[dreg:$0x0] =	wrdreg $0x60  }
0xaf: {  	[dreg:$0x2] =	wrdreg s2  }
0xb0: {  	[dreg:$0x3] =	wrdreg s18  }
0xb1: {  	[dreg:$0x4] =	wrdreg s24  }
0xb2: {  	[dreg:$0x5] =	wrdreg $0x9  }
0xb3: {  	_ =	task.clear_ibuf [dreg:s8], $0x6FFFF;
	_ =	strace $0x90000046  }
0xb4: {  	s29 =	simm.s32 $0x9;
	_ =	strace $0x80000048  }
0xb5: {  	_ =	swait.ge [sflag:s29], $0x1  }
0xb6: {  	[sflag:s29] =	ssyncadd.s32 $0xFFFFFFFF  }
0xb7: {  	_ =	strace $0x90000048  }
0xb8: {  	_ =	sfence  }
0xb9: {  	s30 =	sld [smem:$0x0];
	_ =	sdelay $0x2  }
0xba: {  	s31 =	sshll.u32 s1, $0xD;
	s1 =	sshrl.u32 s1, $0x2  }
0xbb: {  	s3 =	sand.u32 $0x4000, s31;
	s1 =	sadd.s32 s1, s30  }
0xbc: {  	s0 =	sor.u32 s3, s0;
	s1 =	sshll.u32 s1, $0x11  }
0xbd: {  	s0 =	sor.u32 s1, s0  }
0xbe: {  	s0 =	sadd.s32 $0x8F2B, s0  }
0xbf: {  	[sflag:s0] =	ssyncadd.remote.s32 $0x1  }
0xc0: {  	_ =	sfence.sel $0xFFFF  }
0xc1: {  	[dreg:$0x0] =	wrdreg $0xFFFFFFFF;
	(pc) =	sbr.abs _section_cstart, $3  }
0xc2: {  	[dreg:$0x1] =	wrdreg $0xFFFFFFFF  }
0xc3: {  	_ =	task.clear_ibuf [dreg:s8], $0x2FFFF;
	_ =	strace $0x9FFFFFFF  }
0xc4: {  	(tm) =	ssettm $0x7FFFFFFF  }
0xc5: {  	_ =	shalt  }
tec
execute0_lowered:
.L_overlay_start_1:
0x0: {  	(tag) =	ssettag $0x1  }
0x1: {  	s1 =	srdreg.scid  }
0x2: {  	s0 =	stileid.u32;
	s4 =	sand.u32 $0x1, s1  }
0x3: {  	s31 =	sshll.u32 s0, $0x6;
	s2 =	sshll.u32 s4, $0x5  }
0x4: {  	v4 =	vlaneseq.u32;
	vm0 =	vcmask $0x300;
	s14 =	sor.u32 s2, s31  }
0x5: {  	vm1 =	vcmask $0x704;
	vm2 =	vcmask $0xB08;
	v0 =	vmov s14  }
0x6: {  	v3 =	vimm.s32 $0x6380;
	vm3 =	vcmask $0xF0C;
	v0 =	vshll.u32 v0, $0x3  }
0x7: {  	v3 =	vsel vm0, $0x4000, v3;
	v2 =	vand.u32 $0x1C00, v0;
	v0 =	vimm.s32 $0x2380  }
0x8: {  	v5 =	vor.u32 $0x10, v4;
	v3 =	vsel vm1, $0x4080, v3;
	v0 =	vsel vm0, $0x0, v0  }
0x9: {  	v3 =	vsel vm2, $0x4100, v3;
	v1 =	vor.u32 s14, v4;
	v0 =	vsel vm1, $0x80, v0  }
0xa: {  	v3 =	vsel vm3, $0x4180, v3;
	v5 =	vor.u32 s14, v5;
	v0 =	vsel vm2, $0x100, v0  }
0xb: {  	v1 =	vand.u32 $0x6F, v1;
	vm0 =	vcmask $0x1310;
	v0 =	vsel vm3, $0x180, v0  }
0xc: {  	v5 =	vand.u32 $0x7F, v5;
	vm1 =	vcmask $0x1714;
	v0 =	vsel vm0, $0x200, v0  }
0xd: {  	s5 =	rddreg [dreg:$0x1];
	v3 =	vsel vm0, $0x4200, v3;
	vm2 =	vcmask $0x1B18;
	v0 =	vsel vm1, $0x280, v0  }
0xe: {  	s6 =	rddreg [dreg:$0x2];
	s3 =	simm.s32 $0x0;
	s11 =	simm.s32 $0x80;
	v3 =	vsel vm1, $0x4280, v3;
	vm3 =	vcmask $0x1F1C;
	v0 =	vsel vm2, $0x300, v0  }
0xf: {  	s12 =	simm.s32 $0x880;
	s13 =	simm.s32 $0x1080;
	s15 =	simm.s32 $0x2080;
	v3 =	vsel vm2, $0x4300, v3;
	vm0 =	vcmask $0x2320;
	v0 =	vsel vm3, $0x380, v0  }
0x10: {  	s16 =	simm.s32 $0x2880;
	s17 =	simm.s32 $0x3080;
	s18 =	simm.s32 $0x3880;
	v3 =	vsel vm3, $0x4380, v3;
	vm1 =	vcmask $0x2724;
	v0 =	vsel vm0, $0x2000, v0  }
0x11: {  	s19 =	simm.s32 $0x4080;
	s20 =	simm.s32 $0x4880;
	s21 =	simm.s32 $0x5080;
	v3 =	vsel vm0, $0x6000, v3;
	vm2 =	vcmask $0x2B28;
	v0 =	vsel vm1, $0x2080, v0  }
0x12: {  	s22 =	simm.s32 $0x5880;
	s23 =	simm.s32 $0x6080;
	s24 =	simm.s32 $0x6880;
	v3 =	vsel vm1, $0x6080, v3;
	vm3 =	vcmask $0x2F2C;
	v0 =	vsel vm2, $0x2100, v0  }
0x13: {  	s25 =	simm.s32 $0x7080;
	s26 =	simm.s32 $0x7880;
	s1 =	rddreg [dreg:$0x0];
	v3 =	vsel vm2, $0x6100, v3;
	vm0 =	vcmask $0x3330;
	v0 =	vsel vm3, $0x2180, v0  }
0x14: {  	s28 =	simm.s32 $0x1;
	[smem:$0x7FF] =	sst s3;
	s4 =	ssub.s32 $0x2, s4;
	v3 =	vsel vm3, $0x6180, v3;
	vm1 =	vcmask $0x3734;
	v0 =	vsel vm0, $0x2200, v0  }
0x15: {  	s29 =	simm.s32 $0x8080;
	s2 =	rddreg [dreg:$0x3];
	s8 =	sshrl.u32 s4, $0x1;
	v3 =	vsel vm0, $0x6200, v3;
	vm2 =	vcmask $0x3B38;
	v0 =	vsel vm1, $0x2280, v0  }
0x16: {  	_ =	strace $0x80000047;
	s7 =	sshrl.u32 s14, $0x3;
	s10 =	ssub.s32 s4, s8;
	v1 =	vor.u32 v1, v2;
	v3 =	vsel vm1, $0x6280, v3;
	v0 =	vsel vm2, $0x2300, v0  }
0x17: {  	s14 =	simm.s32 $0x1880;
	s9 =	sadd.s32 s7, s6;
	s4 =	sadd.s32 s5, s7;
	v0 =	vor.u32 v0, v1;
	v1 =	vor.u32 v5, v2;
	v2 =	vsel vm2, $0x6300, v3  }
0x18: {  	s5 =	sadd.s32 $0x100, s1;
	s6 =	sadd.s32 $0x200, s1;
	s7 =	sadd.s32 $0x300, s1;
	vm0 =	vmmov $0xffff;
	v3 =	vshrl.u32 v4, $0x3;
	v1 =	vor.u32 v2, v1  }
0x19: {  	s8 =	sadd.s32 $0x600, s9;
	s9 =	smax.u32 s10, $0x1;
	s10 =	simm.s32 $0x2;
	v2 =	vand.u32 $0x7, v4;
	v3 =	vmul.u32 $0x8, v3;
	v4 =	vor.u32 $0x8, v4  }
.LBB2_1:
0x1a: {  	[tilespmem:s3], [sflag:$0x2] =	stream.linear.gather [hbm4b:s4+s3], $0x20, $0x38;
	[tilespmem:$0x8100] =	vst v63  }
0x1b: {  	_ =	swait.ge [sflag:s10], $0x20  }
0x1c: {  	[sflag:s10] =	ssyncset.done $0x0  }
0x1d: {  	[sflag:s10] =	ssyncadd.s32 $0xFFFFFFE0  }
0x1e: {  	v5 =	vld [tilespmem:$0x0];
	_ =	sdelay $0x4  }
0x1f: {  	v6 =	vshll.u32 v5, $0x3  }
0x20: {  	v5 =	vand.u32 $0x7, v5;
	v6 =	vand.u32 $0xFFFFFFC0, v6  }
0x21: {  	v5 =	vor.u32 v5, v6  }
0x22: {  	v6 =	vperm.xlane v5, v2;
	_ =	sdelay $0x1  }
0x23: {  	v6 =	vadd.s32 v3, v6;
	_ =	sdelay $0x4  }
0x24: {  	[tilespmem:s11], [sflag:$0x1] =	stream.indirect_vreg.gather [hbm4b:s1+s3], $0x80, v6, vm0, $0xb8;
	[tilespmem:$0x8100] =	vst v63  }
0x25: {  	v5 =	vperm.xlane v5, v4  }
0x26: {  	[tilespmem:s12], [sflag:$0x1] =	stream.indirect_vreg.gather [hbm4b:s5+s3], $0x80, v6, vm0, $0xb8;
	[tilespmem:$0x8100] =	vst v63  }
0x27: {  	v5 =	vadd.s32 v3, v5  }
0x28: {  	[tilespmem:s13], [sflag:$0x1] =	stream.indirect_vreg.gather [hbm4b:s6+s3], $0x80, v6, vm0, $0xb8;
	[tilespmem:$0x8100] =	vst v63  }
0x29: {  	_ = 	snop  }
0x2a: {  	[tilespmem:s14], [sflag:$0x1] =	stream.indirect_vreg.gather [hbm4b:s7+s3], $0x80, v6, vm0, $0xb8;
	[tilespmem:$0x8100] =	vst v63  }
0x2b: {  	_ = 	snop  }
0x2c: {  	[tilespmem:s15], [sflag:$0x1] =	stream.indirect_vreg.gather [hbm4b:s1+s3], $0x80, v5, vm0, $0xb8;
	[tilespmem:$0x8100] =	vst v63  }
0x2d: {  	_ = 	snop  }
0x2e: {  	[tilespmem:s16], [sflag:$0x1] =	stream.indirect_vreg.gather [hbm4b:s5+s3], $0x80, v5, vm0, $0xb8;
	[tilespmem:$0x8100] =	vst v63  }
0x2f: {  	_ = 	snop  }
0x30: {  	[tilespmem:s17], [sflag:$0x1] =	stream.indirect_vreg.gather [hbm4b:s6+s3], $0x80, v5, vm0, $0xb8;
	[tilespmem:$0x8100] =	vst v63  }
0x31: {  	_ = 	snop  }
0x32: {  	[tilespmem:s18], [sflag:$0x1] =	stream.indirect_vreg.gather [hbm4b:s7+s3], $0x80, v5, vm0, $0xb8;
	[tilespmem:$0x8100] =	vst v63  }
0x33: {  	v5 =	vld [tilespmem:$0x10];
	_ =	sdelay $0x4  }
0x34: {  	v6 =	vshll.u32 v5, $0x3  }
0x35: {  	v5 =	vand.u32 $0x7, v5;
	v6 =	vand.u32 $0xFFFFFFC0, v6  }
0x36: {  	v5 =	vor.u32 v5, v6  }
0x37: {  	v6 =	vperm.xlane v5, v2;
	_ =	sdelay $0x1  }
0x38: {  	v6 =	vadd.s32 v3, v6;
	_ =	sdelay $0x4  }
0x39: {  	[tilespmem:s19], [sflag:$0x1] =	stream.indirect_vreg.gather [hbm4b:s1+s3], $0x80, v6, vm0, $0xb8;
	[tilespmem:$0x8100] =	vst v63  }
0x3a: {  	v5 =	vperm.xlane v5, v4  }
0x3b: {  	[tilespmem:s20], [sflag:$0x1] =	stream.indirect_vreg.gather [hbm4b:s5+s3], $0x80, v6, vm0, $0xb8;
	[tilespmem:$0x8100] =	vst v63  }
0x3c: {  	v5 =	vadd.s32 v3, v5  }
0x3d: {  	[tilespmem:s21], [sflag:$0x1] =	stream.indirect_vreg.gather [hbm4b:s6+s3], $0x80, v6, vm0, $0xb8;
	[tilespmem:$0x8100] =	vst v63  }
0x3e: {  	_ = 	snop  }
0x3f: {  	[tilespmem:s22], [sflag:$0x1] =	stream.indirect_vreg.gather [hbm4b:s7+s3], $0x80, v6, vm0, $0xb8;
	[tilespmem:$0x8100] =	vst v63  }
0x40: {  	_ = 	snop  }
0x41: {  	[tilespmem:s23], [sflag:$0x1] =	stream.indirect_vreg.gather [hbm4b:s1+s3], $0x80, v5, vm0, $0xb8;
	[tilespmem:$0x8100] =	vst v63  }
0x42: {  	_ = 	snop  }
0x43: {  	[tilespmem:s24], [sflag:$0x1] =	stream.indirect_vreg.gather [hbm4b:s5+s3], $0x80, v5, vm0, $0xb8;
	[tilespmem:$0x8100] =	vst v63  }
0x44: {  	_ = 	snop  }
0x45: {  	[tilespmem:s25], [sflag:$0x1] =	stream.indirect_vreg.gather [hbm4b:s6+s3], $0x80, v5, vm0, $0xb8;
	[tilespmem:$0x8100] =	vst v63  }
0x46: {  	_ = 	snop  }
0x47: {  	[tilespmem:s26], [sflag:$0x1] =	stream.indirect_vreg.gather [hbm4b:s7+s3], $0x80, v5, vm0, $0xb8;
	[tilespmem:$0x8100] =	vst v63  }
0x48: {  	_ =	swait.ge [sflag:s28], $0x8000  }
0x49: {  	[sflag:s28] =	ssyncset.done $0x0  }
0x4a: {  	[sflag:s28] =	ssyncadd.s32 $0xFFFF8000  }
0x4b: {  	v5 =	vld.idx.msk [tilespmem:v0+s11+$0x0], $0xffff;
	_ =	sdelay $0x4  }
0x4c: {  	[tilespmem:$0x8080] =	vst v5  }
0x4d: {  	v5 =	vld.idx.msk [tilespmem:v1+s11+$0x0], $0xffff;
	_ =	sdelay $0x3  }
0x4e: {  	p0 =	sne.s32 s9, $0x1  }
.Ltmp0:
0x4f: {  	[tilespmem:$0x8090] =	vst v5;
	(pc) =	sbr.rel @p0 .LBB2_1-.Ltmp0, $4  }
0x50: {  	[hbm4b:s8+s3] =	stream.linear.scatter [tilespmem:s29], [sflag:$0x2], $0x20, $0x38;
	[tilespmem:$0x8100] =	vst v63  }
0x51: {  	_ =	swait.ge [sflag:s10], $0x20  }
0x52: {  	[sflag:s10] =	ssyncset.done $0x0  }
0x53: {  	s9 =	sadd.s32 $0xFFFFFFFF, s9;
	[sflag:s10] =	ssyncadd.s32 $0xFFFFFFE0  }
0x54: {  	_ =	sfence.sel $0x180000  }
0x55: {  	[bflag:$0x0] =	sbarrier.arrive $0xFFFF  }
0x56: {  	p0 =	sne.s32 s0, $0x0;
	_ =	strace $0x90000047  }
0x57: {  	s0 =	sadd.s32 @!p0 $0x100000, s2;
	[bflag:$0x2] =	sbarrier.arrive $0xFFFF  }
0x58: {  	[sflag:s0] =	ssyncadd.tile.s32 @!p0 $0x1;
	_ =	shalt  }
.Lfunc_end2:
_tile_overlayer_lowered:
.L_overlay_start_2:
0x59: {  	(tag) =	ssettag $0x2  }
0x5a: {  	s0 =	rddreg [dreg:$0x0];
	s2 =	stileid.u32  }
0x5b: {  	s1 =	rddreg [dreg:$0x1];
	p0 =	sne.s32 s2, $0x0  }
0x5c: {  	s3 =	rddreg [dreg:$0x2];
	[bflag:$0x3] =	sbarrier.arrive $0xFFFF;
	s2 =	simm.s32 @!p0 $0x1C02  }
0x5d: {  	[timem:s3], [sflag:s2] =	dma.local @!p0 [hbm:s0], s1  }
0x5e: {  	s0 =	simm.s32 @!p0 $0x2  }
0x5f: {  	_ =	swait.ge @!p0 [sflag:s0], s1  }
0x60: {  	s1 =	ssub.s32 @!p0 $0x0, s1;
	[sflag:s0] =	ssyncset.done @!p0 $0x0  }
0x61: {  	[sflag:s0] =	ssyncadd.s32 @!p0 s1  }
0x62: {  	[bflag:$0x3] =	sbarrier.arrive $0xFFFF  }
0x63: {  	_ =	shalt  }

</sc_bundles>
